<compile_context>
chip_gen: v7x
topology: tpu7x:2x2x1
jax: 0.10.2.dev20260603
libtpu: 0.0.44.dev20260713+nightly
codegen_flags: <defaults>
</compile_context>

<pallas_src>
import functools

import jax
import jax.numpy as jnp
from jax import lax
from jax.experimental import pallas as pl
from jax.experimental.pallas import tpu as pltpu
from jax.experimental.pallas import tpu_sc as plsc

_L = 16
_B_BLK = 8


def _sc_pos_body(h, w, d, row_hbm, col_hbm, pos_hbm, posbuf, colbuf, rowbuf):
    info = plsc.get_sparse_core_info()
    wid = lax.axis_index("s") * info.num_cores + lax.axis_index("c")

    pltpu.sync_copy(col_hbm.at[pl.ds(0, w)], colbuf)
    pltpu.sync_copy(row_hbm.at[wid], rowbuf)

    def fill(v, carry):
        j = v // (d // _L)
        c = (v % (d // _L)) * _L
        posbuf[j, pl.ds(c, _L)] = colbuf[j, pl.ds(c, _L)]
        posbuf[j, pl.ds(d + c, _L)] = rowbuf[pl.ds(c, _L)]
        return carry

    lax.fori_loop(0, w * (d // _L), fill, 0)
    pltpu.sync_copy(posbuf, pos_hbm.at[pl.ds(wid * w, w)])


def _tc_body(x_ref, pos_ref, out_ref):
    n, h, w, c2 = x_ref.shape
    pos = jnp.reshape(pos_ref[...], (h, w, c2))
    out_ref[...] = x_ref[...] + pos[None]


def kernel(x, row_embed, col_embed):
    b, c2, h, w = x.shape
    d = c2 // 2
    xt = jnp.transpose(x, (0, 2, 3, 1))

    scmesh = plsc.VectorSubcoreMesh(core_axis_name="c", subcore_axis_name="s")
    sc_pos = functools.partial(
        pl.kernel,
        out_type=jax.ShapeDtypeStruct((h * w, c2), x.dtype),
        mesh=scmesh,
        scratch_types=[
            pltpu.VMEM((w, c2), x.dtype),
            pltpu.VMEM((w, d), x.dtype),
            pltpu.VMEM((d,), x.dtype),
        ],
    )(functools.partial(_sc_pos_body, h, w, d))
    pos2 = sc_pos(row_embed, col_embed)

    out = pl.pallas_call(
        _tc_body,
        grid=(b // _B_BLK,),
        in_specs=[
            pl.BlockSpec((_B_BLK, h, w, c2), lambda g: (g, 0, 0, 0)),
            pl.BlockSpec((h * w, c2), lambda g: (0, 0)),
        ],
        out_specs=pl.BlockSpec((_B_BLK, h, w, c2), lambda g: (g, 0, 0, 0)),
        out_shape=jax.ShapeDtypeStruct((b, h, w, c2), x.dtype),
    )(xt, pos2)
    return jnp.transpose(out, (0, 3, 1, 2))

# --- scband reference (transcript-rebuilt; emitter-appended) ---
"""Pipeline reference for scband-position-embedding-learned-27470610825923 (READ-ONLY COPY).

The authoritative reference and input builder live on the scoring server;
editing this copy changes nothing except your own understanding.
"""

import jax, jax.numpy as jnp
import numpy as np


def setup_inputs(seed: int = 0) -> dict:
    key = jax.random.key(seed)
    k1, k2, k3 = jax.random.split(key, 3)
    x = jax.random.normal(k1, (64, 192, 32, 32), dtype=jnp.float32)
    row_embed = jax.random.normal(k2, (64, 96), dtype=jnp.float32)
    col_embed = jax.random.normal(k3, (64, 96), dtype=jnp.float32)
    return {"x": x, "row_embed": row_embed, "col_embed": col_embed}


def reference(x, row_embed, col_embed):
    h, w = x.shape[-2], x.shape[-1]
    i = jnp.arange(w)
    j = jnp.arange(h)
    x_emb = jnp.take(col_embed, i, axis=0)  # [w, d]
    y_emb = jnp.take(row_embed, j, axis=0)  # [h, d]
    pos = jnp.concatenate([
        jnp.tile(x_emb[None, :, :], (h, 1, 1)),  # [h, w, d]
        jnp.tile(y_emb[:, None, :], (1, w, 1)),  # [h, w, d]
    ], axis=-1)  # [h, w, 2d]
    pos = jnp.transpose(pos, (2, 0, 1))[None, :, :, :]  # [1, 2d, h, w]
    pos = jnp.tile(pos, (x.shape[0], 1, 1, 1))  # [B, 2d, h, w]
    return x + pos

if __name__ == "__main__":
    import jax
    _d = setup_inputs()
    print(jax.jit(kernel)(*tuple(_d.values())))

</pallas_src>

<mosaic_0001>
#map = affine_map<(d0, d1) -> (0, 0)>
module attributes {stable_mosaic.version = 14 : i64} {
  func.func @_sc_pos_body(%arg0: i32, %arg1: i32, %arg2: memref<64x96xf32, #tpu.memory_space<hbm>>, %arg3: memref<64x96xf32, #tpu.memory_space<hbm>>, %arg4: memref<1024x192xf32, #tpu.memory_space<hbm>>, %arg5: memref<32x192xf32, #tpu.memory_space<vmem>>, %arg6: memref<32x96xf32, #tpu.memory_space<vmem>>, %arg7: memref<96xf32, #tpu.memory_space<vmem>>) attributes {dimension_semantics = [#tpu.dimension_semantics<core_parallel>, #tpu.dimension_semantics<subcore_parallel>], iteration_bounds = array<i64: 2, 16>, scalar_prefetch = 0 : i64, scratch_operands = 3 : i64, tpu.core_type = #tpu.core_type<sc_vector_subcore>, window_params = [{transform_indices = #map}, {transform_indices = #map}, {transform_indices = #map}]} {
    %mul3A = arith.constant 2 : i32
    %mul3A_0 = arith.muli %arg1, %mul3A : i32
    %add3A = arith.addi %mul3A_0, %arg0 : i32
    "tpu.region"() ({
      %run_scoped3A = tpu.sem_alloc : memref<!tpu.dma_semaphore, #tpu.memory_space<semaphore_mem>>
      %dma_start3A = arith.constant 0 : i32
      %dma_start3A_8 = arith.constant 0 : i32
      %dma_start3A_9 = tpu.memref_slice %arg3[%dma_start3A, %dma_start3A_8] : memref<64x96xf32, #tpu.memory_space<hbm>> -> memref<32x96xf32, #tpu.memory_space<hbm>>
      %dma_start3A_10 = arith.constant 0 : i32
      %dma_start3A_11 = arith.constant 0 : i32
      %dma_start3A_12 = tpu.memref_slice %arg3[%dma_start3A_10, %dma_start3A_11] : memref<64x96xf32, #tpu.memory_space<hbm>> -> memref<32x96xf32, #tpu.memory_space<hbm>>
      tpu.enqueue_dma source(%dma_start3A_12 : memref<32x96xf32, #tpu.memory_space<hbm>>) target(%arg6 : memref<32x96xf32, #tpu.memory_space<vmem>>) target_semaphore(%run_scoped3A : memref<!tpu.dma_semaphore, #tpu.memory_space<semaphore_mem>>)
      %dma_wait3A = arith.constant 0 : i32
      %dma_wait3A_13 = arith.constant 0 : i32
      %dma_wait3A_14 = tpu.memref_slice %arg3[%dma_wait3A, %dma_wait3A_13] : memref<64x96xf32, #tpu.memory_space<hbm>> -> memref<32x96xf32, #tpu.memory_space<hbm>>
      %dma_wait3A_15 = arith.constant 0 : i32
      %dma_wait3A_16 = arith.constant 0 : i32
      %dma_wait3A_17 = tpu.memref_slice %arg3[%dma_wait3A_15, %dma_wait3A_16] : memref<64x96xf32, #tpu.memory_space<hbm>> -> memref<32x96xf32, #tpu.memory_space<hbm>>
      tpu.wait_dma2 semaphore(%run_scoped3A : memref<!tpu.dma_semaphore, #tpu.memory_space<semaphore_mem>>) src(%dma_wait3A_17 : memref<32x96xf32, #tpu.memory_space<hbm>>) dst(%arg6 : memref<32x96xf32, #tpu.memory_space<vmem>>)
      tpu.yield
    }) : () -> ()
    "tpu.region"() ({
      %run_scoped3A = tpu.sem_alloc : memref<!tpu.dma_semaphore, #tpu.memory_space<semaphore_mem>>
      %dma_start3A = arith.constant 0 : i32
      %dma_start3A_8 = tpu.memref_slice %arg2[%add3A, %dma_start3A] : memref<64x96xf32, #tpu.memory_space<hbm>> -> memref<1x96xf32, #tpu.memory_space<hbm>>
      %dma_start3A_9 = tpu.memref_squeeze %dma_start3A_8 : memref<1x96xf32, #tpu.memory_space<hbm>> -> memref<96xf32, #tpu.memory_space<hbm>>
      %dma_start3A_10 = arith.constant 0 : i32
      %dma_start3A_11 = tpu.memref_slice %arg2[%add3A, %dma_start3A_10] : memref<64x96xf32, #tpu.memory_space<hbm>> -> memref<1x96xf32, #tpu.memory_space<hbm>>
      %dma_start3A_12 = tpu.memref_squeeze %dma_start3A_11 : memref<1x96xf32, #tpu.memory_space<hbm>> -> memref<96xf32, #tpu.memory_space<hbm>>
      tpu.enqueue_dma source(%dma_start3A_12 : memref<96xf32, #tpu.memory_space<hbm>>) target(%arg7 : memref<96xf32, #tpu.memory_space<vmem>>) target_semaphore(%run_scoped3A : memref<!tpu.dma_semaphore, #tpu.memory_space<semaphore_mem>>)
      %dma_wait3A = arith.constant 0 : i32
      %dma_wait3A_13 = tpu.memref_slice %arg2[%add3A, %dma_wait3A] : memref<64x96xf32, #tpu.memory_space<hbm>> -> memref<1x96xf32, #tpu.memory_space<hbm>>
      %dma_wait3A_14 = tpu.memref_squeeze %dma_wait3A_13 : memref<1x96xf32, #tpu.memory_space<hbm>> -> memref<96xf32, #tpu.memory_space<hbm>>
      %dma_wait3A_15 = arith.constant 0 : i32
      %dma_wait3A_16 = tpu.memref_slice %arg2[%add3A, %dma_wait3A_15] : memref<64x96xf32, #tpu.memory_space<hbm>> -> memref<1x96xf32, #tpu.memory_space<hbm>>
      %dma_wait3A_17 = tpu.memref_squeeze %dma_wait3A_16 : memref<1x96xf32, #tpu.memory_space<hbm>> -> memref<96xf32, #tpu.memory_space<hbm>>
      tpu.wait_dma2 semaphore(%run_scoped3A : memref<!tpu.dma_semaphore, #tpu.memory_space<semaphore_mem>>) src(%dma_wait3A_17 : memref<96xf32, #tpu.memory_space<hbm>>) dst(%arg7 : memref<96xf32, #tpu.memory_space<vmem>>)
      tpu.yield
    }) : () -> ()
    %scan3A = arith.constant 0 : i32
    %scan3A_1 = arith.constant 0 : i32
    %scan3A_2 = arith.constant 192 : i32
    %scan3A_3 = arith.addi %scan3A_1, %scan3A_2 : i32
    %scan3A_4 = arith.constant 1 : i32
    scf.for %scan3A_8 = %scan3A_1 to %scan3A_3 step %scan3A_4  : i32 {
      %jit3A = arith.constant 6 : i32
      %div3A = arith.divsi %scan3A_8, %jit3A : i32
      %sign3A = arith.constant 0 : i32
      %sign3A_9 = arith.cmpi sgt, %scan3A_8, %sign3A : i32
      %sign3A_10 = arith.extui %sign3A_9 : i1 to i32
      %sign3A_11 = arith.constant 0 : i32
      %sign3A_12 = arith.cmpi slt, %scan3A_8, %sign3A_11 : i32
      %sign3A_13 = arith.extui %sign3A_12 : i1 to i32
      %sign3A_14 = arith.subi %sign3A_10, %sign3A_13 : i32
      %sign3A_15 = arith.constant 0 : i32
      %sign3A_16 = arith.cmpi sgt, %jit3A, %sign3A_15 : i32
      %sign3A_17 = arith.extui %sign3A_16 : i1 to i32
      %sign3A_18 = arith.constant 0 : i32
      %sign3A_19 = arith.cmpi slt, %jit3A, %sign3A_18 : i32
      %sign3A_20 = arith.extui %sign3A_19 : i1 to i32
      %sign3A_21 = arith.subi %sign3A_17, %sign3A_20 : i32
      %ne3A = arith.cmpi ne, %sign3A_14, %sign3A_21 : i32
      %rem3A = arith.remsi %scan3A_8, %jit3A : i32
      %ne3A_22 = arith.constant 0 : i32
      %ne3A_23 = arith.cmpi ne, %rem3A, %ne3A_22 : i32
      %and3A = arith.andi %ne3A, %ne3A_23 : i1
      %sub3A = arith.constant 1 : i32
      %sub3A_24 = arith.subi %div3A, %sub3A : i32
      %select_n3A = arith.select %and3A, %sub3A_24, %div3A : i32
      %jit3A_25 = arith.constant 6 : i32
      %eq3A = arith.constant 0 : i32
      %eq3A_26 = arith.cmpi eq, %jit3A_25, %eq3A : i32
      %jit3A_27 = arith.constant 1 : i32
      %select_n3A_28 = arith.select %eq3A_26, %jit3A_27, %jit3A_25 : i32
      %rem3A_29 = arith.remsi %scan3A_8, %select_n3A_28 : i32
      %ne3A_30 = arith.constant 0 : i32
      %ne3A_31 = arith.cmpi ne, %rem3A_29, %ne3A_30 : i32
      %lt3A = arith.constant 0 : i32
      %lt3A_32 = arith.cmpi slt, %rem3A_29, %lt3A : i32
      %lt3A_33 = arith.constant 0 : i32
      %lt3A_34 = arith.cmpi slt, %select_n3A_28, %lt3A_33 : i32
      %ne3A_35 = arith.xori %lt3A_32, %lt3A_34 : i1
      %and3A_36 = arith.andi %ne3A_35, %ne3A_31 : i1
      %add3A_37 = arith.addi %rem3A_29, %select_n3A_28 : i32
      %select_n3A_38 = arith.select %and3A_36, %add3A_37, %rem3A_29 : i32
      %mul3A_39 = arith.constant 16 : i32
      %mul3A_40 = arith.muli %select_n3A_38, %mul3A_39 : i32
      %get3A = arith.index_cast %select_n3A : i32 to index
      %get3A_41 = arith.index_cast %mul3A_40 : i32 to index
      %get3A_42 = tpu.vector_load %arg6[%get3A, %get3A_41] {strides = array<i32>} : memref<32x96xf32, #tpu.memory_space<vmem>>, vector<1x16xf32>,
      %get3A_43 = vector.shape_cast %get3A_42 : vector<1x16xf32> to vector<16xf32>
      %swap3A = arith.index_cast %select_n3A : i32 to index
      %swap3A_44 = arith.index_cast %mul3A_40 : i32 to index
      %swap3A_45 = tpu.vector_load %arg5[%swap3A, %swap3A_44] {strides = array<i32>} : memref<32x192xf32, #tpu.memory_space<vmem>>, vector<1x16xf32>,
      %swap3A_46 = vector.shape_cast %swap3A_45 : vector<1x16xf32> to vector<16xf32>
      %swap3A_47 = vector.shape_cast %get3A_43 : vector<16xf32> to vector<1x16xf32>
      tpu.vector_store %arg5[%swap3A, %swap3A_44], %swap3A_47 {strides = array<i32>} : memref<32x192xf32, #tpu.memory_space<vmem>>, vector<1x16xf32>,
      %get3A_48 = arith.index_cast %mul3A_40 : i32 to index
      %get3A_49 = tpu.vector_load %arg7[%get3A_48] {strides = array<i32>} : memref<96xf32, #tpu.memory_space<vmem>>, vector<16xf32>,
      %get3A_50 = vector.shape_cast %get3A_49 : vector<16xf32> to vector<16xf32>
      %add3A_51 = arith.constant 96 : i32
      %add3A_52 = arith.addi %add3A_51, %mul3A_40 : i32
      %swap3A_53 = arith.index_cast %select_n3A : i32 to index
      %swap3A_54 = arith.index_cast %add3A_52 : i32 to index
      %swap3A_55 = tpu.vector_load %arg5[%swap3A_53, %swap3A_54] {strides = array<i32>} : memref<32x192xf32, #tpu.memory_space<vmem>>, vector<1x16xf32>,
      %swap3A_56 = vector.shape_cast %swap3A_55 : vector<1x16xf32> to vector<16xf32>
      %swap3A_57 = vector.shape_cast %get3A_50 : vector<16xf32> to vector<1x16xf32>
      tpu.vector_store %arg5[%swap3A_53, %swap3A_54], %swap3A_57 {strides = array<i32>} : memref<32x192xf32, #tpu.memory_space<vmem>>, vector<1x16xf32>,
    }
    %scan3A_5 = arith.constant 192 : i32
    %mul3A_6 = arith.constant 32 : i32
    %mul3A_7 = arith.muli %add3A, %mul3A_6 : i32
    "tpu.region"() ({
      %run_scoped3A = tpu.sem_alloc : memref<!tpu.dma_semaphore, #tpu.memory_space<semaphore_mem>>
      %dma_start3A = arith.constant 0 : i32
      %dma_start3A_8 = tpu.memref_slice %arg4[%mul3A_7, %dma_start3A] : memref<1024x192xf32, #tpu.memory_space<hbm>> -> memref<32x192xf32, #tpu.memory_space<hbm>>
      %dma_start3A_9 = arith.constant 0 : i32
      %dma_start3A_10 = tpu.memref_slice %arg4[%mul3A_7, %dma_start3A_9] : memref<1024x192xf32, #tpu.memory_space<hbm>> -> memref<32x192xf32, #tpu.memory_space<hbm>>
      tpu.enqueue_dma source(%arg5 : memref<32x192xf32, #tpu.memory_space<vmem>>) target(%dma_start3A_10 : memref<32x192xf32, #tpu.memory_space<hbm>>) target_semaphore(%run_scoped3A : memref<!tpu.dma_semaphore, #tpu.memory_space<semaphore_mem>>)
      %dma_wait3A = arith.constant 0 : i32
      %dma_wait3A_11 = tpu.memref_slice %arg4[%mul3A_7, %dma_wait3A] : memref<1024x192xf32, #tpu.memory_space<hbm>> -> memref<32x192xf32, #tpu.memory_space<hbm>>
      %dma_wait3A_12 = arith.constant 0 : i32
      %dma_wait3A_13 = tpu.memref_slice %arg4[%mul3A_7, %dma_wait3A_12] : memref<1024x192xf32, #tpu.memory_space<hbm>> -> memref<32x192xf32, #tpu.memory_space<hbm>>
      tpu.wait_dma2 semaphore(%run_scoped3A : memref<!tpu.dma_semaphore, #tpu.memory_space<semaphore_mem>>) src(%arg5 : memref<32x192xf32, #tpu.memory_space<vmem>>) dst(%dma_wait3A_13 : memref<32x192xf32, #tpu.memory_space<hbm>>)
      tpu.yield
    }) : () -> ()
    return
  }
}

module attributes {stable_mosaic.version = 14 : i64} {
  func.func @_tc_body(%arg0: i32, %arg1: memref<8x32x32x192xf32, #tpu.memory_space<vmem>>, %arg2: memref<1024x192xf32, #tpu.memory_space<vmem>>, %arg3: memref<8x32x32x192xf32, #tpu.memory_space<vmem>>) attributes {dimension_semantics = [#tpu.dimension_semantics<arbitrary>], iteration_bounds = array<i64: 8>, scalar_prefetch = 0 : i64, scratch_operands = 0 : i64, tpu.core_type = #tpu.core_type<tc>, window_params = [{transform_indices = @transform_0, window_bounds = array<i64: 8, 32, 32, 192>}, {pipeline_mode = #tpu.pipeline_mode<synchronous>, transform_indices = @transform_1, window_bounds = array<i64: 1024, 192>}, {transform_indices = @transform_2, window_bounds = array<i64: 8, 32, 32, 192>}]} {
    %get3A = arith.constant 0 : index
    %get3A_0 = arith.constant 0 : index
    %get3A_1 = vector.load %arg2[%get3A, %get3A_0] : memref<1024x192xf32, #tpu.memory_space<vmem>>, vector<1024x192xf32>
    %reshape3A = vector.shape_cast %get3A_1 : vector<1024x192xf32> to vector<32x32x192xf32>
    %get3A_2 = arith.constant 0 : index
    %get3A_3 = arith.constant 0 : index
    %get3A_4 = arith.constant 0 : index
    %get3A_5 = arith.constant 0 : index
    %get3A_6 = vector.load %arg1[%get3A_2, %get3A_3, %get3A_4, %get3A_5] : memref<8x32x32x192xf32, #tpu.memory_space<vmem>>, vector<8x32x32x192xf32>
    %broadcast_in_dim3A = vector.shape_cast %reshape3A : vector<32x32x192xf32> to vector<1x32x32x192xf32>
    %add3A = vector.broadcast %broadcast_in_dim3A : vector<1x32x32x192xf32> to vector<8x32x32x192xf32>
    %add3A_7 = arith.addf %get3A_6, %add3A : vector<8x32x32x192xf32>
    %swap3A = arith.constant 0 : index
    %swap3A_8 = arith.constant 0 : index
    %swap3A_9 = arith.constant 0 : index
    %swap3A_10 = arith.constant 0 : index
    %swap3A_11 = vector.load %arg3[%swap3A, %swap3A_8, %swap3A_9, %swap3A_10] : memref<8x32x32x192xf32, #tpu.memory_space<vmem>>, vector<8x32x32x192xf32>
    tpu.vector_store %arg3[%swap3A, %swap3A_8, %swap3A_9, %swap3A_10], %add3A_7 {strides = array<i32>} : memref<8x32x32x192xf32, #tpu.memory_space<vmem>>, vector<8x32x32x192xf32>,
    return
  }
  func.func @transform_0(%arg0: i32) -> (i32, i32, i32, i32) {
    %c0_i32 = arith.constant 0 : i32
    %c0_i32_0 = arith.constant 0 : i32
    %c0_i32_1 = arith.constant 0 : i32
    %c0_i32_2 = arith.constant 0 : i32
    return %arg0, %c0_i32, %c0_i32_0, %c0_i32_1 : i32, i32, i32, i32
  }
  func.func @transform_1(%arg0: i32) -> (i32, i32) {
    %c0_i32 = arith.constant 0 : i32
    %c0_i32_0 = arith.constant 0 : i32
    %c0_i32_1 = arith.constant 0 : i32
    return %c0_i32, %c0_i32_0 : i32, i32
  }
  func.func @transform_2(%arg0: i32) -> (i32, i32, i32, i32) {
    %c0_i32 = arith.constant 0 : i32
    %c0_i32_0 = arith.constant 0 : i32
    %c0_i32_1 = arith.constant 0 : i32
    %c0_i32_2 = arith.constant 0 : i32
    return %arg0, %c0_i32, %c0_i32_0, %c0_i32_1 : i32, i32, i32, i32
  }
}

</mosaic_0001>

<sc_bundles>
// kernel: kernel.4.cloned.1.call-start
scs
__scs_entry_jumppad:
0x0: {  	(pc) =	sbr.rel $0x88, $3  }
0x1: {  	(tag) =	ssettag $0x0;
	lr =	simm.s32 $0x1  }
0x2: {  	[smem:$0x3F9E] =	sst lr;
	_ =	strace $0xD0000000  }
0x3: {  	_ = 	snop  }
0x4: {  	_ = 	snop  }
0x5: {  	_ = 	snop  }
0x6: {  	_ = 	snop  }
0x7: {  	_ = 	snop  }
__scs_overlays_trampoline_lowered:
0x8: {  	[smem:$0x3FAD] =	sst s0  }
0x9: {  	[smem:$0x3FAE] =	sst s1  }
0xa: {  	[smem:$0x3FAF] =	sst s2  }
0xb: {  	[smem:$0x3FB0] =	sst s3  }
0xc: {  	[smem:$0x3FB1] =	sst s4  }
0xd: {  	[smem:$0x3FB2] =	sst s5  }
0xe: {  	[smem:$0x3FB3] =	sst s6  }
0xf: {  	[smem:$0x3FB4] =	sst s7  }
0x10: {  	[smem:$0x3FB5] =	sst s8  }
0x11: {  	[smem:$0x3FB6] =	sst s9;
	s0 =	simm.s32 @!p0 $0x0  }
0x12: {  	s1 =	sld [smem:$0x3F9C];
	s0 =	simm.s32 @p0 $0x1  }
0x13: {  	[smem:$0x3FB7] =	sst s0;
	s0 =	simm.s32 @!p1 $0x0  }
0x14: {  	s2 =	sld [smem:$0x3F9B];
	s0 =	simm.s32 @p1 $0x1  }
0x15: {  	[smem:$0x3FB8] =	sst s0;
	s0 =	simm.s32 @!p2 $0x0  }
0x16: {  	s3 =	sld [smem:$0x3FDB];
	s0 =	simm.s32 @p2 $0x1  }
0x17: {  	s4 =	simm.s32 $0x1BF5;
	[smem:$0x3FBA] =	sst s0  }
0x18: {  	s0 =	sld [smem:$0x3F9D];
	_ =	swait.ge [sflag:s4], $0x0  }
0x19: {  	s7 =	sld [smem:$0x3F9E]  }
0x1a: {  	s8 =	sadd.s32 $0xFFFFE003, lr  }
0x1b: {  	s9 =	sadd.s32 $0xFFFFFEF7, lr;
	s5 =	simm.s32 $0xFFFFFFFF;
	p2 =	slt.u32 s8, $0xFFFFF086  }
0x1c: {  	p1 =	slt.u32 s9, $0xF7A;
	s5 =	simm.s32 @!p2 $0x0  }
0x1d: {  	s5 =	simm.s32 @p1 $0x1;
	p0 =	seq.s32 s7, s2  }
0x1e: {  	s7 =	smul.u32 @!p0 $0xF7A, s2;
	p2 =	seq.s32 @!p0 s5, $0x0  }
0x1f: {  	s9 =	smul.u32 $0xF7A, s1;
	s8 =	simm.s32 @!p0 $0x1BF5;
	p2 =	por !p2, p0  }
0x20: {  	[sflag:s8] =	ssyncset.s32 @!p0 $0xFFFFF086;
	s6 =	sadd.s32 @!p0 s3, s7;
	s7 =	simm.s32 @!p0 $0x108  }
0x21: {  	s3 =	sadd.s32 s3, s9;
	s6 =	sadd.s32 @!p0 $0x88, s6;
	s7 =	simm.s32 @p2 $0x1082  }
0x22: {  	[simem:s7], [sflag:s8] =	dma.local @!p0 [hbm:s6], $0xF7A  }
0x23: {  	s9 =	sor.u32 $0xD0000000, s2;
	s6 =	simm.s32 $0x108;
	_ =	swait.ge @!p0 [sflag:s8], $0x0  }
0x24: {  	s3 =	sadd.s32 $0x88, s3;
	s6 =	simm.s32 @!p1 $0x1082;
	[sflag:s4] =	ssyncset.s32 $0xFFFFF086  }
0x25: {  	[simem:s6], [sflag:s4] =	dma.local [hbm:s3], $0xF7A  }
0x26: {  	[smem:$0x3F9E] =	sst s1;
	(tag) =	ssettag s2;
	_ =	strace s9  }
0x27: {  	s1 =	sld [smem:$0x3FAE]  }
0x28: {  	s2 =	sld [smem:$0x3FAF]  }
0x29: {  	s4 =	sld [smem:$0x3FB1]  }
0x2a: {  	p0 =	seq.s32 s5, $0x0;
	s5 =	sld [smem:$0x3FB2]  }
0x2b: {  	s6 =	sld [smem:$0x3FB3]  }
0x2c: {  	s7 =	sld [smem:$0x3FB4]  }
0x2d: {  	s3 =	simm.s32 $0x108;
	s8 =	sld [smem:$0x3FB5]  }
0x2e: {  	s3 =	simm.s32 @!p0 $0x1082;
	s9 =	sld [smem:$0x3FB6]  }
0x2f: {  	lr =	sadd.s32 s0, s3;
	s0 =	sld [smem:$0x3FAD]  }
0x30: {  	s3 =	sld [smem:$0x3FB0]  }
0x31: {  	[smem:$0x3FB9] =	sst s10  }
0x32: {  	s10 =	sld [smem:$0x3FB7];
	_ =	sdelay $0x3  }
0x33: {  	p0 =	seq.s32 s10, $0x1;
	s10 =	sld [smem:$0x3FB9];
	_ =	sdelay $0x3  }
0x34: {  	[smem:$0x3FB9] =	sst s10  }
0x35: {  	s10 =	sld [smem:$0x3FB8];
	_ =	sdelay $0x3  }
0x36: {  	p1 =	seq.s32 s10, $0x1;
	s10 =	sld [smem:$0x3FB9];
	_ =	sdelay $0x3  }
0x37: {  	[smem:$0x3FB9] =	sst s10  }
0x38: {  	s10 =	sld [smem:$0x3FBA]  }
0x39: {  	_ = 	snop;
	(pc) =	sbr.ind lr, $3  }
0x3a: {  	_ = 	snop  }
0x3b: {  	_ = 	snop  }
0x3c: {  	p2 =	seq.s32 s10, $0x1;
	s10 =	sld [smem:$0x3FB9]  }
0x3d: {  	_ =	shalt  }
0x3e: {  	_ =	shalt  }
0x3f: {  	_ =	shalt  }
0x40: {  	_ =	shalt  }
0x41: {  	_ =	shalt  }
0x42: {  	_ =	shalt  }
0x43: {  	_ =	shalt  }
0x44: {  	_ =	shalt  }
0x45: {  	_ =	shalt  }
0x46: {  	_ =	shalt  }
0x47: {  	_ =	shalt  }
0x48: {  	_ =	shalt  }
0x49: {  	_ =	shalt  }
0x4a: {  	_ =	shalt  }
0x4b: {  	_ =	shalt  }
0x4c: {  	_ =	shalt  }
0x4d: {  	_ =	shalt  }
0x4e: {  	_ =	shalt  }
0x4f: {  	_ =	shalt  }
0x50: {  	_ =	shalt  }
0x51: {  	_ =	shalt  }
0x52: {  	_ =	shalt  }
0x53: {  	_ =	shalt  }
0x54: {  	_ =	shalt  }
0x55: {  	_ =	shalt  }
0x56: {  	_ =	shalt  }
0x57: {  	_ =	shalt  }
0x58: {  	_ =	shalt  }
0x59: {  	_ =	shalt  }
0x5a: {  	_ =	shalt  }
0x5b: {  	_ =	shalt  }
0x5c: {  	_ =	shalt  }
0x5d: {  	_ =	shalt  }
0x5e: {  	_ =	shalt  }
0x5f: {  	_ =	shalt  }
0x60: {  	_ =	shalt  }
0x61: {  	_ =	shalt  }
0x62: {  	_ =	shalt  }
0x63: {  	_ =	shalt  }
0x64: {  	_ =	shalt  }
0x65: {  	_ =	shalt  }
0x66: {  	_ =	shalt  }
0x67: {  	_ =	shalt  }
0x68: {  	_ =	shalt  }
0x69: {  	_ =	shalt  }
0x6a: {  	_ =	shalt  }
0x6b: {  	_ =	shalt  }
0x6c: {  	_ =	shalt  }
0x6d: {  	_ =	shalt  }
0x6e: {  	_ =	shalt  }
0x6f: {  	_ =	shalt  }
0x70: {  	_ =	shalt  }
0x71: {  	_ =	shalt  }
0x72: {  	_ =	shalt  }
0x73: {  	_ =	shalt  }
0x74: {  	_ =	shalt  }
0x75: {  	_ =	shalt  }
0x76: {  	_ =	shalt  }
0x77: {  	_ =	shalt  }
0x78: {  	_ =	shalt  }
0x79: {  	_ =	shalt  }
0x7a: {  	_ =	shalt  }
0x7b: {  	_ =	shalt  }
0x7c: {  	_ =	shalt  }
0x7d: {  	_ =	shalt  }
0x7e: {  	_ =	shalt  }
0x7f: {  	_ =	shalt  }
0x80: {  	_ =	shalt  }
0x81: {  	_ =	shalt  }
0x82: {  	_ =	shalt  }
0x83: {  	_ =	shalt  }
0x84: {  	_ =	shalt  }
0x85: {  	_ =	shalt  }
0x86: {  	_ =	shalt  }
0x87: {  	_ =	shalt  }
.Lfunc_end0:
.L_simem_size_0:
called_computation_lowered:
.L_overlay_start_0:
0x88: {  	s2 =	sld [smem:$0x3FD9]  }
0x89: {  	s3 =	sld [smem:$0x3FFE];
	_ =	sdelay $0x1  }
0x8a: {  	s1 =	srdreg.scid  }
0x8b: {  	s0 =	sand.u32 $0x1, s1  }
0x8c: {  	s18 =	sshll.u32 s0, $0xA;
	s2 =	sadd.s32 s3, s2  }
0x8d: {  	s2 =	sadd.s32 s2, s18  }
0x8e: {  	[smem:$0x3FC5] =	sst s2  }
0x8f: {  	_ = 	snop  }
0x90: {  	s2 =	sld [smem:$0x3FC8]  }
0x91: {  	s19 =	sld [smem:$0x3FC7]  }
0x92: {  	s4 =	sld [smem:$0x3FD0];
	(tm) =	ssettm $0x1  }
0x93: {  	s5 =	sld [smem:$0x3FFB];
	_ =	sdelay $0x3  }
0x94: {  	_ =	strace s5  }
0x95: {  	s5 =	sld [smem:$0x3FFC];
	_ =	sdelay $0x3  }
0x96: {  	_ =	strace s5  }
0x97: {  	s5 =	sld [smem:$0x3FFD];
	_ =	sdelay $0x3  }
0x98: {  	_ =	strace s5  }
0x99: {  	_ =	strace $0x8FFFFFFF  }
0x9a: {  	s20 =	sld [smem:$0x3FDB];
	_ =	sdelay $0x1  }
0x9b: {  	s6 =	simm.s32 $_scs_section_size  }
0x9c: {  	s7 =	simm.s32 $_size__tile_overlayer_lowered;
	s8 =	simm.s32 $_tile_overlayer_lowered  }
0x9d: {  	s23 =	simm.s32 $0x1BFF;
	s22 =	sshll.u32 s8, $0x1;
	s5 =	sadd.s32 s6, s20  }
0x9e: {  	s9 =	simm.s32 $0x0;
	s21 =	sshll.u32 s7, $0x1;
	s7 =	sadd.s32 s22, s5  }
0x9f: {  	[timem:s9], [sflag:s23] =	dma.local [hbm:s7], s21  }
0xa0: {  	_ =	swait.ge [sflag:s23], s21  }
0xa1: {  	s6 =	ssub.s32 $0x0, s21;
	[sflag:s23] =	ssyncset.done $0x0  }
0xa2: {  	[sflag:s23] =	ssyncadd.s32 s6;
	_ =	sdelay $0x1  }
0xa3: {  	s24 =	simm.s32 $0x1B8B  }
0xa4: {  	_ =	swait.ge [sflag:s24], $0x1  }
0xa5: {  	[sflag:s24] =	ssyncset.done $0x0  }
0xa6: {  	s25 =	simm.s32 $0x1B8E;
	[sflag:s24] =	ssyncadd.s32 $0xFFFFFFFF  }
0xa7: {  	s26 =	simm.s32 $execute0_lowered;
	[smem:$0x3FD2] =	sst s25  }
0xa8: {  	s6 =	sshll.u32 s26, $0x1;
	_ =	strace $0x80000046;
	[dreg:$0x1] =	wrdreg $0xFFFFFFFF  }
0xa9: {  	s28 =	simm.s32 $_size_execute0_lowered;
	s5 =	sadd.s32 s5, s6;
	[dreg:$0x0] =	wrdreg $0x0  }
0xaa: {  	s6 =	sshll.u32 s28, $0x1;
	[dreg:$0x2] =	wrdreg s5  }
0xab: {  	[dreg:$0x3] =	wrdreg s6  }
0xac: {  	[dreg:$0x4] =	wrdreg $0xC0  }
0xad: {  	_ =	task [dreg:s9], $0x5FFFF  }
0xae: {  	[dreg:$0x1] =	wrdreg $0xFFFFFFFF  }
0xaf: {  	[dreg:$0x0] =	wrdreg $0x60  }
0xb0: {  	[dreg:$0x2] =	wrdreg s2  }
0xb1: {  	[dreg:$0x3] =	wrdreg s19  }
0xb2: {  	[dreg:$0x4] =	wrdreg s4  }
0xb3: {  	[dreg:$0x5] =	wrdreg $0x9  }
0xb4: {  	_ =	task.clear_ibuf [dreg:s9], $0x6FFFF;
	_ =	strace $0x90000046  }
0xb5: {  	s29 =	simm.s32 $0x9;
	_ =	strace $0x80000048  }
0xb6: {  	_ =	swait.ge [sflag:s29], $0x1  }
0xb7: {  	[sflag:s29] =	ssyncadd.s32 $0xFFFFFFFF  }
0xb8: {  	_ =	strace $0x90000048  }
0xb9: {  	_ =	sfence  }
0xba: {  	s30 =	sld [smem:$0x0];
	_ =	sdelay $0x2  }
0xbb: {  	s31 =	sshll.u32 s1, $0xD;
	s1 =	sshrl.u32 s1, $0x2  }
0xbc: {  	s3 =	sand.u32 $0x4000, s31;
	s1 =	sadd.s32 s1, s30  }
0xbd: {  	s0 =	sor.u32 s3, s0;
	s1 =	sshll.u32 s1, $0x11  }
0xbe: {  	s0 =	sor.u32 s1, s0  }
0xbf: {  	s0 =	sadd.s32 $0x8F2B, s0  }
0xc0: {  	[sflag:s0] =	ssyncadd.remote.s32 $0x1  }
0xc1: {  	_ =	sfence.sel $0xFFFF  }
0xc2: {  	[dreg:$0x0] =	wrdreg $0xFFFFFFFF;
	(pc) =	sbr.abs _section_cstart, $3  }
0xc3: {  	[dreg:$0x1] =	wrdreg $0xFFFFFFFF  }
0xc4: {  	_ =	task.clear_ibuf [dreg:s9], $0x2FFFF;
	_ =	strace $0x9FFFFFFF  }
0xc5: {  	(tm) =	ssettm $0x7FFFFFFF  }
tec
execute0_lowered:
.L_overlay_start_1:
0x0: {  	(tag) =	ssettag $0x1  }
0x1: {  	s4 =	rddreg [dreg:$0x0]  }
0x2: {  	s2 =	rddreg [dreg:$0x1]  }
0x3: {  	s5 =	rddreg [dreg:$0x2]  }
0x4: {  	s0 =	rddreg [dreg:$0x3]  }
0x5: {  	s6 =	srdreg.scid;
	s1 =	stileid.u32  }
0x6: {  	s3 =	simm.s32 $0x0;
	s10 =	simm.s32 $0x0;
	s6 =	sand.u32 $0x1, s6  }
0x7: {  	s7 =	sshll.u32 s1, $0x1;
	[smem:$0x7FF] =	sst s3;
	s8 =	ssub.s32 $0x2, s6  }
0x8: {  	s6 =	sor.u32 s6, s7;
	_ =	strace $0x80000047;
	s31 =	sshrl.u32 s8, $0x1  }
0x9: {  	s9 =	sshll.u32 s6, $0x4;
	s6 =	sshll.u32 s6, $0xA;
	s7 =	ssub.s32 s8, s31  }
0xa: {  	s4 =	sadd.s32 s4, s9;
	s5 =	sadd.s32 s5, s6;
	s8 =	simm.s32 $0x1  }
0xb: {  	s9 =	simm.s32 $0x3000;
	s6 =	smax.u32 s7, $0x1;
	s7 =	simm.s32 $0x2000  }
.LBB2_1:
0xc: {  	[tilespmem:s7], [sflag:$0x1] =	stream.linear.gather [hbm4b:s2+s3], $0x1000, $0x38;
	[tilespmem:$0x3080] =	vst v63  }
0xd: {  	s11 =	smul.u32 $0xAB, s3  }
0xe: {  	_ =	swait.ge [sflag:s8], $0x1000  }
0xf: {  	[sflag:s8] =	ssyncset.done $0x0;
	s12 =	sshrl.u32 s11, $0xA  }
0x10: {  	[sflag:s8] =	ssyncadd.s32 $0xFFFFF000;
	s12 =	smul.u32 $0x6, s12  }
0x11: {  	[tilespmem:s9], [sflag:$0x1] =	stream.linear.gather [hbm4b:s4+s3], $0x80, $0x38;
	[tilespmem:$0x3080] =	vst v63  }
0x12: {  	s12 =	ssub.s32 $0x0, s12  }
0x13: {  	s15 =	sshrl.u32 s11, $0x3;
	_ =	swait.ge [sflag:s8], $0x80;
	s12 =	sshll.u32 s12, $0x4  }
0x14: {  	s31 =	sand.u32 $0x1F80, s15;
	[sflag:s8] =	ssyncset.done $0x0;
	s14 =	sand.u32 $0xF0, s12  }
0x15: {  	[sflag:s8] =	ssyncadd.s32 $0xFFFFFF80;
	s17 =	sor.u32 s14, s31  }
0x16: {  	v0 =	vld [tilespmem:s17+$0x2000]  }
0x17: {  	s11 =	sshrl.u32 s11, $0x2  }
0x18: {  	s13 =	simm.s32 $0x1;
	s16 =	sand.u32 $0x3800, s11;
	s12 =	sand.u32 $0x380, s15  }
0x19: {  	s11 =	smul.u32 $0xAB, s13;
	s15 =	simm.s32 $0x2;
	s17 =	sor.u32 s12, s16  }
.LBB2_2:
0x1a: {  	p0 =	sne.s32 s15, $0xBF;
	s17 =	sor.u32 s14, s17  }
0x1b: {  	s18 =	sshrl.u32 s11, $0xA;
	[tilespmem:s17+$0x0] =	vst v0;
	s17 =	sadd.s32 $0x60, s14  }
0x1c: {  	s18 =	smul.u32 $0x6, s18;
	v0 =	vld [tilespmem:s14+$0x3000];
	s14 =	sshll.u32 s17, $0x3  }
0x1d: {  	s14 =	sand.u32 $0x400, s14  }
0x1e: {  	s17 =	sand.u32 $0x70, s17;
	s13 =	ssub.s32 s13, s18;
	s14 =	sor.u32 s14, s16  }
0x1f: {  	s18 =	sshrl.u32 s11, $0x3;
	s13 =	sshll.u32 s13, $0x4;
	s16 =	sor.u32 s17, s14  }
0x20: {  	s14 =	sand.u32 $0xF0, s13;
	s13 =	sand.u32 $0x1F80, s18;
	s12 =	sor.u32 s12, s16  }
.Ltmp0:
0x21: {  	s16 =	sor.u32 s14, s13;
	[tilespmem:s12+$0x0] =	vst v0;
	s13 =	smov.u32 s15;
	(pc) =	sbr.rel @p0 .LBB2_2-.Ltmp0, $4  }
0x22: {  	v0 =	vld [tilespmem:s16+$0x2000]  }
0x23: {  	s11 =	sshrl.u32 s11, $0x2  }
0x24: {  	s12 =	sand.u32 $0x380, s18;
	s16 =	sand.u32 $0x3800, s11  }
0x25: {  	s15 =	sadd.s32 $0x1, s15;
	s11 =	smul.u32 $0xAB, s13;
	s17 =	sor.u32 s12, s16  }
0x26: {  	s15 =	sor.u32 s14, s17  }
0x27: {  	s21 =	sadd.s32 $0x60, s14;
	s20 =	sshrl.u32 s11, $0xA;
	[tilespmem:s15+$0x0] =	vst v0  }
0x28: {  	s22 =	sshll.u32 s21, $0x3;
	s17 =	smul.u32 $0x6, s20;
	v0 =	vld [tilespmem:s14+$0x3000]  }
0x29: {  	s14 =	sand.u32 $0x400, s22  }
0x2a: {  	s15 =	sand.u32 $0x70, s21;
	s14 =	sor.u32 s14, s16;
	s13 =	ssub.s32 s13, s17  }
0x2b: {  	s23 =	sshrl.u32 s11, $0x3;
	s14 =	sor.u32 s15, s14;
	s13 =	sshll.u32 s13, $0x4  }
0x2c: {  	s24 =	sand.u32 $0x1F80, s23;
	s12 =	sor.u32 s12, s14;
	s13 =	sand.u32 $0xF0, s13  }
0x2d: {  	s25 =	sor.u32 s13, s24;
	[tilespmem:s12+$0x0] =	vst v0  }
0x2e: {  	v0 =	vld [tilespmem:s25+$0x2000]  }
0x2f: {  	s26 =	sshrl.u32 s11, $0x2  }
0x30: {  	s11 =	sand.u32 $0x3800, s26;
	s28 =	sand.u32 $0x380, s23  }
0x31: {  	s29 =	sor.u32 s28, s11  }
0x32: {  	s14 =	sor.u32 s13, s29  }
0x33: {  	s30 =	sadd.s32 $0x60, s13;
	[tilespmem:s14+$0x0] =	vst v0  }
0x34: {  	s31 =	sshll.u32 s30, $0x3;
	v0 =	vld [tilespmem:s13+$0x3000]  }
0x35: {  	s13 =	sand.u32 $0x400, s31  }
0x36: {  	s14 =	sand.u32 $0x70, s30;
	s11 =	sor.u32 s13, s11  }
0x37: {  	s10 =	sadd.s32 $0x1, s10;
	s11 =	sor.u32 s14, s11  }
0x38: {  	p0 =	sne.s32 s10, s6;
	s11 =	sor.u32 s28, s11  }
.Ltmp1:
0x39: {  	[tilespmem:s11+$0x0] =	vst v0;
	(pc) =	sbr.rel @p0 .LBB2_1-.Ltmp1, $4  }
0x3a: {  	[hbm4b:s5+s3] =	stream.linear.scatter [tilespmem:s3], [sflag:$0x1], $0x2000, $0x38;
	[tilespmem:$0x3080] =	vst v63  }
0x3b: {  	_ =	swait.ge [sflag:s8], $0x2000  }
0x3c: {  	[sflag:s8] =	ssyncset.done $0x0  }
0x3d: {  	[sflag:s8] =	ssyncadd.s32 $0xFFFFE000  }
0x3e: {  	_ =	sfence.sel $0x180000  }
0x3f: {  	[bflag:$0x0] =	sbarrier.arrive $0xFFFF  }
0x40: {  	p0 =	sne.s32 s1, $0x0;
	_ =	strace $0x90000047  }
0x41: {  	s0 =	sadd.s32 @!p0 $0x100000, s0;
	[bflag:$0x2] =	sbarrier.arrive $0xFFFF  }
0x42: {  	[sflag:s0] =	ssyncadd.tile.s32 @!p0 $0x1;
	_ =	shalt  }
.Lfunc_end2:
_tile_overlayer_lowered:
.L_overlay_start_2:
0x43: {  	(tag) =	ssettag $0x2  }
0x44: {  	s0 =	rddreg [dreg:$0x0];
	s2 =	stileid.u32  }
0x45: {  	s1 =	rddreg [dreg:$0x1];
	p0 =	sne.s32 s2, $0x0  }
0x46: {  	s3 =	rddreg [dreg:$0x2];
	[bflag:$0x3] =	sbarrier.arrive $0xFFFF;
	s2 =	simm.s32 @!p0 $0x1C01  }
0x47: {  	[timem:s3], [sflag:s2] =	dma.local @!p0 [hbm:s0], s1  }
0x48: {  	s0 =	simm.s32 @!p0 $0x1  }
0x49: {  	_ =	swait.ge @!p0 [sflag:s0], s1  }
0x4a: {  	s1 =	ssub.s32 @!p0 $0x0, s1;
	[sflag:s0] =	ssyncset.done @!p0 $0x0  }
0x4b: {  	[sflag:s0] =	ssyncadd.s32 @!p0 s1  }
0x4c: {  	[bflag:$0x3] =	sbarrier.arrive $0xFFFF  }
0x4d: {  	_ =	shalt  }

</sc_bundles>
